<compile_context>
chip_gen: v7x
topology: tpu7x:2x2x1
jax: 0.10.2.dev20260603
libtpu: 0.0.44.dev20260713+nightly
codegen_flags: <defaults>
</compile_context>

<pallas_src>
import functools

import jax
import jax.numpy as jnp
from jax import lax
from jax.experimental import pallas as pl
from jax.experimental.pallas import tpu as pltpu
from jax.experimental.pallas import tpu_sc as plsc

_B = 16384
_V = 64
_D = 128
_NC = 2
_NS = 16
_NW = _NC * _NS
_BW = _B // _NW
_L = 16
_RPW = _V // _NS
_DC = _D // _L


_sc_mesh = plsc.VectorSubcoreMesh(core_axis_name="c", subcore_axis_name="s")


@functools.partial(
    pl.kernel,
    mesh=_sc_mesh,
    out_type=[
        jax.ShapeDtypeStruct((_B,), jnp.float32),
        jax.ShapeDtypeStruct((_B,), jnp.float32),
    ],
    scratch_types=[
        pltpu.VMEM((_RPW * _D,), jnp.float32),
        pltpu.VMEM((2 * _D,), jnp.float32),
        pltpu.VMEM((2,), jnp.float32),
        pltpu.VMEM((_L,), jnp.float32),
        pltpu.VMEM((2 * _V,), jnp.float32),
        pltpu.VMEM((_BW,), jnp.int32),
        pltpu.VMEM((_BW,), jnp.float32),
        pltpu.VMEM((_BW,), jnp.float32),
        pltpu.VMEM_SHARED((2 * _V,), jnp.float32),
        pltpu.SemaphoreType.DMA,
    ],
    compiler_params=pltpu.CompilerParams(needs_layout_passes=False),
)
def _encoder_sc(table_hbm, wf_hbm, b_hbm, idx_hbm, g_hbm, bt_hbm,
                t4_v, wf_v, b_v, piece_v, ft_v, idx_v, g_v, bt_v, ft_sh, sem):
    cid = lax.axis_index("c")
    sid = lax.axis_index("s")
    wid = sid * _NC + cid
    base = wid * _BW

    cpy_t = pltpu.async_copy(
        table_hbm.at[pl.ds(_RPW * _D * sid, _RPW * _D)], t4_v, sem)
    cpy_w = pltpu.async_copy(wf_hbm, wf_v, sem)
    cpy_b = pltpu.async_copy(b_hbm, b_v, sem)
    cpy_i = pltpu.async_copy(idx_hbm.at[pl.ds(base, _BW)], idx_v, sem)
    cpy_t.wait()
    cpy_w.wait()
    cpy_b.wait()

    lanes = lax.iota(jnp.int32, _L)

    def film_body(c, accs):
        flat = (lanes + c * _L) * 2
        wgc = plsc.load_gather(wf_v, [flat])
        wbc = plsc.load_gather(wf_v, [flat + 1])
        out = []
        for vv in range(_RPW):
            t = t4_v[pl.ds(vv * _D + c * _L, _L)]
            out.append(accs[2 * vv] + t * wgc)
            out.append(accs[2 * vv + 1] + t * wbc)
        return tuple(out)

    accs = lax.fori_loop(
        0, _DC, film_body,
        tuple(jnp.zeros((_L,), jnp.float32) for _ in range(2 * _RPW)))

    bias = plsc.load_gather(b_v, [lanes % 2])
    piece = jnp.zeros((_L,), jnp.float32)
    for vv in range(_RPW):
        piece = jnp.where(lanes == 2 * vv, jnp.sum(accs[2 * vv]), piece)
        piece = jnp.where(lanes == 2 * vv + 1, jnp.sum(accs[2 * vv + 1]), piece)
    piece_v[...] = piece + bias

    pltpu.sync_copy(piece_v.at[pl.ds(0, 2 * _RPW)],
                    ft_sh.at[pl.ds(2 * _RPW * sid, 2 * _RPW)])
    plsc.subcore_barrier()
    pltpu.sync_copy(ft_sh, ft_v)

    cpy_i.wait()

    @plsc.parallel_loop(0, _BW, step=_L, unroll=8)
    def _(off):
        sl = pl.ds(off, _L)
        ix2 = idx_v[sl] * 2
        g_v[sl] = plsc.load_gather(ft_v, [ix2])
        bt_v[sl] = plsc.load_gather(ft_v, [ix2 + 1])
    cpy_g = pltpu.async_copy(g_v, g_hbm.at[pl.ds(base, _BW)], sem)
    cpy_bt = pltpu.async_copy(bt_v, bt_hbm.at[pl.ds(base, _BW)], sem)
    cpy_g.wait()
    cpy_bt.wait()


def kernel(effect_id, table, W, b):
    tf = table.reshape(_V * _D)
    wf = W.reshape(2 * _D)
    idx = effect_id.reshape(_B)
    gamma, beta = _encoder_sc(tf, wf, b, idx)
    return gamma.reshape(_B, 1, 1), beta.reshape(_B, 1, 1)

# --- scband reference (transcript-rebuilt; emitter-appended) ---
"""Pipeline reference for scband-condition-encoder-61847529062870 (READ-ONLY COPY).

The authoritative reference and input builder live on the scoring server;
editing this copy changes nothing except your own understanding.
"""

import jax, jax.numpy as jnp
import numpy as np

B = 16384
V = 64
D = 128

def setup_inputs(seed: int = 0) -> dict:
    key = jax.random.key(seed)
    k1, k2, k3, k4 = jax.random.split(key, 4)
    effect_id = jax.random.randint(k1, (B, 1), 0, V, dtype=jnp.int32)
    table = jax.random.normal(k2, (V, D), dtype=jnp.float32)
    W = jax.random.normal(k3, (D, 2), dtype=jnp.float32) * (1.0 / np.sqrt(D))
    b = jax.random.normal(k4, (2,), dtype=jnp.float32) * 0.01
    return {"effect_id": effect_id, "table": table, "W": W, "b": b}

def reference(effect_id, table, W, b):
    # embed = self.embedding(effect_id).squeeze(1)  -> gather rows then drop the length-1 dim
    embed = jnp.take(table, effect_id[:, 0], axis=0)          # [B, D]
    out = embed @ W + b                                        # [B, 2]
    gamma = out[:, 0:1]                                        # chunk(2, dim=-1) -> [B,1]
    beta = out[:, 1:2]                                         # [B,1]
    gamma = gamma[..., None]                                   # unsqueeze(-1) -> [B,1,1]
    beta = beta[..., None]                                     # [B,1,1]
    return (gamma, beta)

if __name__ == "__main__":
    import jax
    _d = setup_inputs()
    print(jax.jit(kernel)(*tuple(_d.values())))

</pallas_src>

<mosaic_0001>
#map = affine_map<(d0, d1) -> (0)>
module attributes {stable_mosaic.version = 14 : i64} {
  func.func @_encoder_sc(%arg0: i32, %arg1: i32, %arg2: memref<8192xf32, #tpu.memory_space<hbm>>, %arg3: memref<256xf32, #tpu.memory_space<hbm>>, %arg4: memref<2xf32, #tpu.memory_space<hbm>>, %arg5: memref<16384xi32, #tpu.memory_space<hbm>>, %arg6: memref<16384xf32, #tpu.memory_space<hbm>>, %arg7: memref<16384xf32, #tpu.memory_space<hbm>>, %arg8: memref<512xf32, #tpu.memory_space<vmem>>, %arg9: memref<256xf32, #tpu.memory_space<vmem>>, %arg10: memref<2xf32, #tpu.memory_space<vmem>>, %arg11: memref<16xf32, #tpu.memory_space<vmem>>, %arg12: memref<128xf32, #tpu.memory_space<vmem>>, %arg13: memref<512xi32, #tpu.memory_space<vmem>>, %arg14: memref<512xf32, #tpu.memory_space<vmem>>, %arg15: memref<512xf32, #tpu.memory_space<vmem>>, %arg16: memref<128xf32, #tpu.memory_space<vmem_shared>>, %arg17: memref<!tpu.dma_semaphore, #tpu.memory_space<semaphore_mem>>) attributes {dimension_semantics = [#tpu.dimension_semantics<core_parallel>, #tpu.dimension_semantics<subcore_parallel>], iteration_bounds = array<i64: 2, 16>, scalar_prefetch = 0 : i64, scratch_operands = 10 : i64, tpu.core_type = #tpu.core_type<sc_vector_subcore>, window_params = [{transform_indices = #map}, {transform_indices = #map}, {transform_indices = #map}, {transform_indices = #map}, {transform_indices = #map}, {transform_indices = #map}]} {
    %mul3A = arith.constant 2 : i32
    %mul3A_0 = arith.muli %arg1, %mul3A : i32
    %add3A = arith.addi %mul3A_0, %arg0 : i32
    %mul3A_1 = arith.constant 512 : i32
    %mul3A_2 = arith.muli %add3A, %mul3A_1 : i32
    %mul3A_3 = arith.constant 512 : i32
    %mul3A_4 = arith.muli %mul3A_3, %arg1 : i32
    %dma_start3A = tpu.memref_slice %arg2[%mul3A_4] : memref<8192xf32, #tpu.memory_space<hbm>> -> memref<512xf32, #tpu.memory_space<hbm>>
    %dma_start3A_5 = tpu.memref_slice %arg2[%mul3A_4] : memref<8192xf32, #tpu.memory_space<hbm>> -> memref<512xf32, #tpu.memory_space<hbm>>
    tpu.enqueue_dma source(%dma_start3A_5 : memref<512xf32, #tpu.memory_space<hbm>>) target(%arg8 : memref<512xf32, #tpu.memory_space<vmem>>) target_semaphore(%arg17 : memref<!tpu.dma_semaphore, #tpu.memory_space<semaphore_mem>>)
    tpu.enqueue_dma source(%arg3 : memref<256xf32, #tpu.memory_space<hbm>>) target(%arg9 : memref<256xf32, #tpu.memory_space<vmem>>) target_semaphore(%arg17 : memref<!tpu.dma_semaphore, #tpu.memory_space<semaphore_mem>>)
    tpu.enqueue_dma source(%arg4 : memref<2xf32, #tpu.memory_space<hbm>>) target(%arg10 : memref<2xf32, #tpu.memory_space<vmem>>) target_semaphore(%arg17 : memref<!tpu.dma_semaphore, #tpu.memory_space<semaphore_mem>>)
    %dma_start3A_6 = tpu.memref_slice %arg5[%mul3A_2] : memref<16384xi32, #tpu.memory_space<hbm>> -> memref<512xi32, #tpu.memory_space<hbm>>
    %dma_start3A_7 = tpu.memref_slice %arg5[%mul3A_2] : memref<16384xi32, #tpu.memory_space<hbm>> -> memref<512xi32, #tpu.memory_space<hbm>>
    tpu.enqueue_dma source(%dma_start3A_7 : memref<512xi32, #tpu.memory_space<hbm>>) target(%arg13 : memref<512xi32, #tpu.memory_space<vmem>>) target_semaphore(%arg17 : memref<!tpu.dma_semaphore, #tpu.memory_space<semaphore_mem>>)
    %dma_wait3A = tpu.memref_slice %arg2[%mul3A_4] : memref<8192xf32, #tpu.memory_space<hbm>> -> memref<512xf32, #tpu.memory_space<hbm>>
    %dma_wait3A_8 = tpu.memref_slice %arg2[%mul3A_4] : memref<8192xf32, #tpu.memory_space<hbm>> -> memref<512xf32, #tpu.memory_space<hbm>>
    tpu.wait_dma2 semaphore(%arg17 : memref<!tpu.dma_semaphore, #tpu.memory_space<semaphore_mem>>) src(%dma_wait3A_8 : memref<512xf32, #tpu.memory_space<hbm>>) dst(%arg8 : memref<512xf32, #tpu.memory_space<vmem>>)
    tpu.wait_dma2 semaphore(%arg17 : memref<!tpu.dma_semaphore, #tpu.memory_space<semaphore_mem>>) src(%arg3 : memref<256xf32, #tpu.memory_space<hbm>>) dst(%arg9 : memref<256xf32, #tpu.memory_space<vmem>>)
    tpu.wait_dma2 semaphore(%arg17 : memref<!tpu.dma_semaphore, #tpu.memory_space<semaphore_mem>>) src(%arg4 : memref<2xf32, #tpu.memory_space<hbm>>) dst(%arg10 : memref<2xf32, #tpu.memory_space<vmem>>)
    %iota3A = tpu.iota {dimensions = array<i32: 0>} : vector<16xi32>
    %broadcast_in_dim3A = arith.constant 0.000000e+00 : f32
    %broadcast_in_dim3A_9 = vector.broadcast %broadcast_in_dim3A : f32 to vector<16xf32>
    %broadcast_in_dim3A_10 = arith.constant 0.000000e+00 : f32
    %broadcast_in_dim3A_11 = vector.broadcast %broadcast_in_dim3A_10 : f32 to vector<16xf32>
    %broadcast_in_dim3A_12 = arith.constant 0.000000e+00 : f32
    %broadcast_in_dim3A_13 = vector.broadcast %broadcast_in_dim3A_12 : f32 to vector<16xf32>
    %broadcast_in_dim3A_14 = arith.constant 0.000000e+00 : f32
    %broadcast_in_dim3A_15 = vector.broadcast %broadcast_in_dim3A_14 : f32 to vector<16xf32>
    %broadcast_in_dim3A_16 = arith.constant 0.000000e+00 : f32
    %broadcast_in_dim3A_17 = vector.broadcast %broadcast_in_dim3A_16 : f32 to vector<16xf32>
    %broadcast_in_dim3A_18 = arith.constant 0.000000e+00 : f32
    %broadcast_in_dim3A_19 = vector.broadcast %broadcast_in_dim3A_18 : f32 to vector<16xf32>
    %broadcast_in_dim3A_20 = arith.constant 0.000000e+00 : f32
    %broadcast_in_dim3A_21 = vector.broadcast %broadcast_in_dim3A_20 : f32 to vector<16xf32>
    %broadcast_in_dim3A_22 = arith.constant 0.000000e+00 : f32
    %broadcast_in_dim3A_23 = vector.broadcast %broadcast_in_dim3A_22 : f32 to vector<16xf32>
    %scan3A = arith.constant 0 : i32
    %scan3A_24 = arith.constant 8 : i32
    %scan3A_25 = arith.addi %scan3A, %scan3A_24 : i32
    %scan3A_26 = arith.constant 1 : i32
    %scan3A_27:8 = scf.for %scan3A_133 = %scan3A to %scan3A_25 step %scan3A_26 iter_args(%scan3A_134 = %broadcast_in_dim3A_9, %scan3A_135 = %broadcast_in_dim3A_11, %scan3A_136 = %broadcast_in_dim3A_13, %scan3A_137 = %broadcast_in_dim3A_15, %scan3A_138 = %broadcast_in_dim3A_17, %scan3A_139 = %broadcast_in_dim3A_19, %scan3A_140 = %broadcast_in_dim3A_21, %scan3A_141 = %broadcast_in_dim3A_23) -> (vector<16xf32>, vector<16xf32>, vector<16xf32>, vector<16xf32>, vector<16xf32>, vector<16xf32>, vector<16xf32>, vector<16xf32>)  : i32 {
      %mul3A_142 = arith.constant 16 : i32
      %mul3A_143 = arith.muli %scan3A_133, %mul3A_142 : i32
      %add3A_144 = vector.broadcast %mul3A_143 : i32 to vector<16xi32>
      %add3A_145 = arith.addi %iota3A, %add3A_144 : vector<16xi32>
      %mul3A_146 = arith.constant 2 : i32
      %mul3A_147 = vector.broadcast %mul3A_146 : i32 to vector<16xi32>
      %mul3A_148 = arith.muli %add3A_145, %mul3A_147 : vector<16xi32>
      %gather3A_149 = tpu.vector_load_idx %arg9[%mul3A_148] : memref<256xf32, #tpu.memory_space<vmem>>[vector<16xi32>], vector<16xf32>,
      %add3A_150 = arith.constant 1 : i32
      %add3A_151 = vector.broadcast %add3A_150 : i32 to vector<16xi32>
      %add3A_152 = arith.addi %mul3A_148, %add3A_151 : vector<16xi32>
      %gather3A_153 = tpu.vector_load_idx %arg9[%add3A_152] : memref<256xf32, #tpu.memory_space<vmem>>[vector<16xi32>], vector<16xf32>,
      %mul3A_154 = arith.constant 16 : i32
      %mul3A_155 = arith.muli %scan3A_133, %mul3A_154 : i32
      %add3A_156 = arith.constant 0 : i32
      %add3A_157 = arith.addi %add3A_156, %mul3A_155 : i32
      %get3A = arith.index_cast %add3A_157 : i32 to index
      %get3A_158 = tpu.vector_load %arg8[%get3A] {strides = array<i32>} : memref<512xf32, #tpu.memory_space<vmem>>, vector<16xf32>,
      %mul3A_159 = arith.mulf %get3A_158, %gather3A_149 : vector<16xf32>
      %add3A_160 = arith.addf %scan3A_134, %mul3A_159 : vector<16xf32>
      %mul3A_161 = arith.mulf %get3A_158, %gather3A_153 : vector<16xf32>
      %add3A_162 = arith.addf %scan3A_135, %mul3A_161 : vector<16xf32>
      %mul3A_163 = arith.constant 16 : i32
      %mul3A_164 = arith.muli %scan3A_133, %mul3A_163 : i32
      %add3A_165 = arith.constant 128 : i32
      %add3A_166 = arith.addi %add3A_165, %mul3A_164 : i32
      %get3A_167 = arith.index_cast %add3A_166 : i32 to index
      %get3A_168 = tpu.vector_load %arg8[%get3A_167] {strides = array<i32>} : memref<512xf32, #tpu.memory_space<vmem>>, vector<16xf32>,
      %mul3A_169 = arith.mulf %get3A_168, %gather3A_149 : vector<16xf32>
      %add3A_170 = arith.addf %scan3A_136, %mul3A_169 : vector<16xf32>
      %mul3A_171 = arith.mulf %get3A_168, %gather3A_153 : vector<16xf32>
      %add3A_172 = arith.addf %scan3A_137, %mul3A_171 : vector<16xf32>
      %mul3A_173 = arith.constant 16 : i32
      %mul3A_174 = arith.muli %scan3A_133, %mul3A_173 : i32
      %add3A_175 = arith.constant 256 : i32
      %add3A_176 = arith.addi %add3A_175, %mul3A_174 : i32
      %get3A_177 = arith.index_cast %add3A_176 : i32 to index
      %get3A_178 = tpu.vector_load %arg8[%get3A_177] {strides = array<i32>} : memref<512xf32, #tpu.memory_space<vmem>>, vector<16xf32>,
      %mul3A_179 = arith.mulf %get3A_178, %gather3A_149 : vector<16xf32>
      %add3A_180 = arith.addf %scan3A_138, %mul3A_179 : vector<16xf32>
      %mul3A_181 = arith.mulf %get3A_178, %gather3A_153 : vector<16xf32>
      %add3A_182 = arith.addf %scan3A_139, %mul3A_181 : vector<16xf32>
      %mul3A_183 = arith.constant 16 : i32
      %mul3A_184 = arith.muli %scan3A_133, %mul3A_183 : i32
      %add3A_185 = arith.constant 384 : i32
      %add3A_186 = arith.addi %add3A_185, %mul3A_184 : i32
      %get3A_187 = arith.index_cast %add3A_186 : i32 to index
      %get3A_188 = tpu.vector_load %arg8[%get3A_187] {strides = array<i32>} : memref<512xf32, #tpu.memory_space<vmem>>, vector<16xf32>,
      %mul3A_189 = arith.mulf %get3A_188, %gather3A_149 : vector<16xf32>
      %add3A_190 = arith.addf %scan3A_140, %mul3A_189 : vector<16xf32>
      %mul3A_191 = arith.mulf %get3A_188, %gather3A_153 : vector<16xf32>
      %add3A_192 = arith.addf %scan3A_141, %mul3A_191 : vector<16xf32>
      scf.yield %add3A_160, %add3A_162, %add3A_170, %add3A_172, %add3A_180, %add3A_182, %add3A_190, %add3A_192 : vector<16xf32>, vector<16xf32>, vector<16xf32>, vector<16xf32>, vector<16xf32>, vector<16xf32>, vector<16xf32>, vector<16xf32>
    }
    %scan3A_28 = arith.constant 8 : i32
    %jit3A = arith.constant 2 : i32
    %eq3A = arith.constant 0 : i32
    %eq3A_29 = arith.cmpi eq, %jit3A, %eq3A : i32
    %jit3A_30 = arith.constant 1 : i32
    %select_n3A = arith.select %eq3A_29, %jit3A_30, %jit3A : i32
    %rem3A = vector.broadcast %select_n3A : i32 to vector<16xi32>
    %rem3A_31 = arith.remsi %iota3A, %rem3A : vector<16xi32>
    %ne3A = arith.constant 0 : i32
    %ne3A_32 = vector.broadcast %ne3A : i32 to vector<16xi32>
    %ne3A_33 = arith.cmpi ne, %rem3A_31, %ne3A_32 : vector<16xi32>
    %lt3A = arith.constant 0 : i32
    %lt3A_34 = vector.broadcast %lt3A : i32 to vector<16xi32>
    %lt3A_35 = arith.cmpi slt, %rem3A_31, %lt3A_34 : vector<16xi32>
    %lt3A_36 = arith.constant 0 : i32
    %lt3A_37 = arith.cmpi slt, %select_n3A, %lt3A_36 : i32
    %ne3A_38 = vector.broadcast %lt3A_37 : i1 to vector<16xi1>
    %ne3A_39 = vector.broadcast %ne3A_38 : vector<16xi1> to vector<16xi1>
    %ne3A_40 = arith.xori %lt3A_35, %ne3A_39 : vector<16xi1>
    %and3A = arith.andi %ne3A_40, %ne3A_33 : vector<16xi1>
    %add3A_41 = vector.broadcast %select_n3A : i32 to vector<16xi32>
    %add3A_42 = arith.addi %rem3A_31, %add3A_41 : vector<16xi32>
    %select_n3A_43 = arith.select %and3A, %add3A_42, %rem3A_31 : vector<16xi1>, vector<16xi32>
    %gather3A = tpu.vector_load_idx %arg10[%select_n3A_43] : memref<2xf32, #tpu.memory_space<vmem>>[vector<16xi32>], vector<16xf32>,
    %broadcast_in_dim3A_44 = arith.constant 0.000000e+00 : f32
    %broadcast_in_dim3A_45 = vector.broadcast %broadcast_in_dim3A_44 : f32 to vector<16xf32>
    %eq3A_46 = arith.constant 0 : i32
    %eq3A_47 = vector.broadcast %eq3A_46 : i32 to vector<16xi32>
    %eq3A_48 = arith.cmpi eq, %iota3A, %eq3A_47 : vector<16xi32>
    %reduce_sum3A = arith.constant true
    %reduce_sum3A_49 = vector.broadcast %reduce_sum3A : i1 to vector<16xi1>
    %reduce_sum3A_50 = tpu.scan <sum>, %scan3A_27#0 masked %reduce_sum3A_49 : vector<16xf32>, vector<16xi1> -> vector<16xf32>
    %reduce_sum3A_51 = vector.extract %reduce_sum3A_50[15] : f32 from vector<16xf32>
    %broadcast_in_dim3A_52 = vector.broadcast %reduce_sum3A_51 : f32 to vector<16xf32>
    %select_n3A_53 = arith.select %eq3A_48, %broadcast_in_dim3A_52, %broadcast_in_dim3A_45 : vector<16xi1>, vector<16xf32>
    %eq3A_54 = arith.constant 1 : i32
    %eq3A_55 = vector.broadcast %eq3A_54 : i32 to vector<16xi32>
    %eq3A_56 = arith.cmpi eq, %iota3A, %eq3A_55 : vector<16xi32>
    %reduce_sum3A_57 = arith.constant true
    %reduce_sum3A_58 = vector.broadcast %reduce_sum3A_57 : i1 to vector<16xi1>
    %reduce_sum3A_59 = tpu.scan <sum>, %scan3A_27#1 masked %reduce_sum3A_58 : vector<16xf32>, vector<16xi1> -> vector<16xf32>
    %reduce_sum3A_60 = vector.extract %reduce_sum3A_59[15] : f32 from vector<16xf32>
    %broadcast_in_dim3A_61 = vector.broadcast %reduce_sum3A_60 : f32 to vector<16xf32>
    %select_n3A_62 = arith.select %eq3A_56, %broadcast_in_dim3A_61, %select_n3A_53 : vector<16xi1>, vector<16xf32>
    %eq3A_63 = arith.constant 2 : i32
    %eq3A_64 = vector.broadcast %eq3A_63 : i32 to vector<16xi32>
    %eq3A_65 = arith.cmpi eq, %iota3A, %eq3A_64 : vector<16xi32>
    %reduce_sum3A_66 = arith.constant true
    %reduce_sum3A_67 = vector.broadcast %reduce_sum3A_66 : i1 to vector<16xi1>
    %reduce_sum3A_68 = tpu.scan <sum>, %scan3A_27#2 masked %reduce_sum3A_67 : vector<16xf32>, vector<16xi1> -> vector<16xf32>
    %reduce_sum3A_69 = vector.extract %reduce_sum3A_68[15] : f32 from vector<16xf32>
    %broadcast_in_dim3A_70 = vector.broadcast %reduce_sum3A_69 : f32 to vector<16xf32>
    %select_n3A_71 = arith.select %eq3A_65, %broadcast_in_dim3A_70, %select_n3A_62 : vector<16xi1>, vector<16xf32>
    %eq3A_72 = arith.constant 3 : i32
    %eq3A_73 = vector.broadcast %eq3A_72 : i32 to vector<16xi32>
    %eq3A_74 = arith.cmpi eq, %iota3A, %eq3A_73 : vector<16xi32>
    %reduce_sum3A_75 = arith.constant true
    %reduce_sum3A_76 = vector.broadcast %reduce_sum3A_75 : i1 to vector<16xi1>
    %reduce_sum3A_77 = tpu.scan <sum>, %scan3A_27#3 masked %reduce_sum3A_76 : vector<16xf32>, vector<16xi1> -> vector<16xf32>
    %reduce_sum3A_78 = vector.extract %reduce_sum3A_77[15] : f32 from vector<16xf32>
    %broadcast_in_dim3A_79 = vector.broadcast %reduce_sum3A_78 : f32 to vector<16xf32>
    %select_n3A_80 = arith.select %eq3A_74, %broadcast_in_dim3A_79, %select_n3A_71 : vector<16xi1>, vector<16xf32>
    %eq3A_81 = arith.constant 4 : i32
    %eq3A_82 = vector.broadcast %eq3A_81 : i32 to vector<16xi32>
    %eq3A_83 = arith.cmpi eq, %iota3A, %eq3A_82 : vector<16xi32>
    %reduce_sum3A_84 = arith.constant true
    %reduce_sum3A_85 = vector.broadcast %reduce_sum3A_84 : i1 to vector<16xi1>
    %reduce_sum3A_86 = tpu.scan <sum>, %scan3A_27#4 masked %reduce_sum3A_85 : vector<16xf32>, vector<16xi1> -> vector<16xf32>
    %reduce_sum3A_87 = vector.extract %reduce_sum3A_86[15] : f32 from vector<16xf32>
    %broadcast_in_dim3A_88 = vector.broadcast %reduce_sum3A_87 : f32 to vector<16xf32>
    %select_n3A_89 = arith.select %eq3A_83, %broadcast_in_dim3A_88, %select_n3A_80 : vector<16xi1>, vector<16xf32>
    %eq3A_90 = arith.constant 5 : i32
    %eq3A_91 = vector.broadcast %eq3A_90 : i32 to vector<16xi32>
    %eq3A_92 = arith.cmpi eq, %iota3A, %eq3A_91 : vector<16xi32>
    %reduce_sum3A_93 = arith.constant true
    %reduce_sum3A_94 = vector.broadcast %reduce_sum3A_93 : i1 to vector<16xi1>
    %reduce_sum3A_95 = tpu.scan <sum>, %scan3A_27#5 masked %reduce_sum3A_94 : vector<16xf32>, vector<16xi1> -> vector<16xf32>
    %reduce_sum3A_96 = vector.extract %reduce_sum3A_95[15] : f32 from vector<16xf32>
    %broadcast_in_dim3A_97 = vector.broadcast %reduce_sum3A_96 : f32 to vector<16xf32>
    %select_n3A_98 = arith.select %eq3A_92, %broadcast_in_dim3A_97, %select_n3A_89 : vector<16xi1>, vector<16xf32>
    %eq3A_99 = arith.constant 6 : i32
    %eq3A_100 = vector.broadcast %eq3A_99 : i32 to vector<16xi32>
    %eq3A_101 = arith.cmpi eq, %iota3A, %eq3A_100 : vector<16xi32>
    %reduce_sum3A_102 = arith.constant true
    %reduce_sum3A_103 = vector.broadcast %reduce_sum3A_102 : i1 to vector<16xi1>
    %reduce_sum3A_104 = tpu.scan <sum>, %scan3A_27#6 masked %reduce_sum3A_103 : vector<16xf32>, vector<16xi1> -> vector<16xf32>
    %reduce_sum3A_105 = vector.extract %reduce_sum3A_104[15] : f32 from vector<16xf32>
    %broadcast_in_dim3A_106 = vector.broadcast %reduce_sum3A_105 : f32 to vector<16xf32>
    %select_n3A_107 = arith.select %eq3A_101, %broadcast_in_dim3A_106, %select_n3A_98 : vector<16xi1>, vector<16xf32>
    %eq3A_108 = arith.constant 7 : i32
    %eq3A_109 = vector.broadcast %eq3A_108 : i32 to vector<16xi32>
    %eq3A_110 = arith.cmpi eq, %iota3A, %eq3A_109 : vector<16xi32>
    %reduce_sum3A_111 = arith.constant true
    %reduce_sum3A_112 = vector.broadcast %reduce_sum3A_111 : i1 to vector<16xi1>
    %reduce_sum3A_113 = tpu.scan <sum>, %scan3A_27#7 masked %reduce_sum3A_112 : vector<16xf32>, vector<16xi1> -> vector<16xf32>
    %reduce_sum3A_114 = vector.extract %reduce_sum3A_113[15] : f32 from vector<16xf32>
    %broadcast_in_dim3A_115 = vector.broadcast %reduce_sum3A_114 : f32 to vector<16xf32>
    %select_n3A_116 = arith.select %eq3A_110, %broadcast_in_dim3A_115, %select_n3A_107 : vector<16xi1>, vector<16xf32>
    %add3A_117 = arith.addf %select_n3A_116, %gather3A : vector<16xf32>
    %swap3A = arith.constant 0 : index
    %swap3A_118 = tpu.vector_load %arg11[%swap3A] {strides = array<i32>} : memref<16xf32, #tpu.memory_space<vmem>>, vector<16xf32>,
    tpu.vector_store %arg11[%swap3A], %add3A_117 {strides = array<i32>} : memref<16xf32, #tpu.memory_space<vmem>>, vector<16xf32>,
    %mul3A_119 = arith.constant 8 : i32
    %mul3A_120 = arith.muli %mul3A_119, %arg1 : i32
    "tpu.region"() ({
      %run_scoped3A = tpu.sem_alloc : memref<!tpu.dma_semaphore, #tpu.memory_space<semaphore_mem>>
      %dma_start3A_133 = arith.constant 0 : i32
      %dma_start3A_134 = tpu.memref_slice %arg11[%dma_start3A_133] : memref<16xf32, #tpu.memory_space<vmem>> -> memref<8xf32, #tpu.memory_space<vmem>>
      %dma_start3A_135 = tpu.memref_slice %arg16[%mul3A_120] : memref<128xf32, #tpu.memory_space<vmem_shared>> -> memref<8xf32, #tpu.memory_space<vmem_shared>>
      %dma_start3A_136 = tpu.memref_slice %arg16[%mul3A_120] : memref<128xf32, #tpu.memory_space<vmem_shared>> -> memref<8xf32, #tpu.memory_space<vmem_shared>>
      %dma_start3A_137 = arith.constant 0 : i32
      %dma_start3A_138 = tpu.memref_slice %arg11[%dma_start3A_137] : memref<16xf32, #tpu.memory_space<vmem>> -> memref<8xf32, #tpu.memory_space<vmem>>
      tpu.enqueue_dma source(%dma_start3A_138 : memref<8xf32, #tpu.memory_space<vmem>>) target(%dma_start3A_136 : memref<8xf32, #tpu.memory_space<vmem_shared>>) target_semaphore(%run_scoped3A : memref<!tpu.dma_semaphore, #tpu.memory_space<semaphore_mem>>)
      %dma_wait3A_139 = arith.constant 0 : i32
      %dma_wait3A_140 = tpu.memref_slice %arg11[%dma_wait3A_139] : memref<16xf32, #tpu.memory_space<vmem>> -> memref<8xf32, #tpu.memory_space<vmem>>
      %dma_wait3A_141 = tpu.memref_slice %arg16[%mul3A_120] : memref<128xf32, #tpu.memory_space<vmem_shared>> -> memref<8xf32, #tpu.memory_space<vmem_shared>>
      %dma_wait3A_142 = tpu.memref_slice %arg16[%mul3A_120] : memref<128xf32, #tpu.memory_space<vmem_shared>> -> memref<8xf32, #tpu.memory_space<vmem_shared>>
      %dma_wait3A_143 = arith.constant 0 : i32
      %dma_wait3A_144 = tpu.memref_slice %arg11[%dma_wait3A_143] : memref<16xf32, #tpu.memory_space<vmem>> -> memref<8xf32, #tpu.memory_space<vmem>>
      tpu.wait_dma2 semaphore(%run_scoped3A : memref<!tpu.dma_semaphore, #tpu.memory_space<semaphore_mem>>) src(%dma_wait3A_144 : memref<8xf32, #tpu.memory_space<vmem>>) dst(%dma_wait3A_142 : memref<8xf32, #tpu.memory_space<vmem_shared>>)
      tpu.yield
    }) : () -> ()
    %barrier3A = arith.constant 0 : index
    tpu.barrier barrier_id(%barrier3A)
    "tpu.region"() ({
      %run_scoped3A = tpu.sem_alloc : memref<!tpu.dma_semaphore, #tpu.memory_space<semaphore_mem>>
      tpu.enqueue_dma source(%arg16 : memref<128xf32, #tpu.memory_space<vmem_shared>>) target(%arg12 : memref<128xf32, #tpu.memory_space<vmem>>) target_semaphore(%run_scoped3A : memref<!tpu.dma_semaphore, #tpu.memory_space<semaphore_mem>>)
      tpu.wait_dma2 semaphore(%run_scoped3A : memref<!tpu.dma_semaphore, #tpu.memory_space<semaphore_mem>>) src(%arg16 : memref<128xf32, #tpu.memory_space<vmem_shared>>) dst(%arg12 : memref<128xf32, #tpu.memory_space<vmem>>)
      tpu.yield
    }) : () -> ()
    %dma_wait3A_121 = tpu.memref_slice %arg5[%mul3A_2] : memref<16384xi32, #tpu.memory_space<hbm>> -> memref<512xi32, #tpu.memory_space<hbm>>
    %dma_wait3A_122 = tpu.memref_slice %arg5[%mul3A_2] : memref<16384xi32, #tpu.memory_space<hbm>> -> memref<512xi32, #tpu.memory_space<hbm>>
    tpu.wait_dma2 semaphore(%arg17 : memref<!tpu.dma_semaphore, #tpu.memory_space<semaphore_mem>>) src(%dma_wait3A_122 : memref<512xi32, #tpu.memory_space<hbm>>) dst(%arg13 : memref<512xi32, #tpu.memory_space<vmem>>)
    %parallel_loop3A = arith.constant 0 : i32
    %parallel_loop3A_123 = arith.constant 512 : i32
    %parallel_loop3A_124 = arith.constant 16 : i32
    scf.for %parallel_loop3A_133 = %parallel_loop3A to %parallel_loop3A_123 step %parallel_loop3A_124  : i32 {
      %parallel_loop3A_134 = arith.index_cast %parallel_loop3A_133 : i32 to index
      %parallel_loop3A_135 = tpu.vector_load %arg13[%parallel_loop3A_134] {strides = array<i32>} : memref<512xi32, #tpu.memory_space<vmem>>, vector<16xi32>,
      %parallel_loop3A_136 = arith.constant 2 : i32
      %parallel_loop3A_137 = vector.broadcast %parallel_loop3A_136 : i32 to vector<16xi32>
      %parallel_loop3A_138 = arith.muli %parallel_loop3A_135, %parallel_loop3A_137 : vector<16xi32>
      %parallel_loop3A_139 = tpu.vector_load_idx %arg12[%parallel_loop3A_138] : memref<128xf32, #tpu.memory_space<vmem>>[vector<16xi32>], vector<16xf32>,
      %parallel_loop3A_140 = arith.index_cast %parallel_loop3A_133 : i32 to index
      %parallel_loop3A_141 = tpu.vector_load %arg14[%parallel_loop3A_140] {strides = array<i32>} : memref<512xf32, #tpu.memory_space<vmem>>, vector<16xf32>,
      tpu.vector_store %arg14[%parallel_loop3A_140], %parallel_loop3A_139 {strides = array<i32>} : memref<512xf32, #tpu.memory_space<vmem>>, vector<16xf32>,
      %parallel_loop3A_142 = arith.constant 1 : i32
      %parallel_loop3A_143 = vector.broadcast %parallel_loop3A_142 : i32 to vector<16xi32>
      %parallel_loop3A_144 = arith.addi %parallel_loop3A_138, %parallel_loop3A_143 : vector<16xi32>
      %parallel_loop3A_145 = tpu.vector_load_idx %arg12[%parallel_loop3A_144] : memref<128xf32, #tpu.memory_space<vmem>>[vector<16xi32>], vector<16xf32>,
      %parallel_loop3A_146 = arith.index_cast %parallel_loop3A_133 : i32 to index
      %parallel_loop3A_147 = tpu.vector_load %arg15[%parallel_loop3A_146] {strides = array<i32>} : memref<512xf32, #tpu.memory_space<vmem>>, vector<16xf32>,
      tpu.vector_store %arg15[%parallel_loop3A_146], %parallel_loop3A_145 {strides = array<i32>} : memref<512xf32, #tpu.memory_space<vmem>>, vector<16xf32>,
    } {sc.loop_unroll_factor = 8 : i64, sc.parallel_access}
    %dma_start3A_125 = tpu.memref_slice %arg6[%mul3A_2] : memref<16384xf32, #tpu.memory_space<hbm>> -> memref<512xf32, #tpu.memory_space<hbm>>
    %dma_start3A_126 = tpu.memref_slice %arg6[%mul3A_2] : memref<16384xf32, #tpu.memory_space<hbm>> -> memref<512xf32, #tpu.memory_space<hbm>>
    tpu.enqueue_dma source(%arg14 : memref<512xf32, #tpu.memory_space<vmem>>) target(%dma_start3A_126 : memref<512xf32, #tpu.memory_space<hbm>>) target_semaphore(%arg17 : memref<!tpu.dma_semaphore, #tpu.memory_space<semaphore_mem>>)
    %dma_start3A_127 = tpu.memref_slice %arg7[%mul3A_2] : memref<16384xf32, #tpu.memory_space<hbm>> -> memref<512xf32, #tpu.memory_space<hbm>>
    %dma_start3A_128 = tpu.memref_slice %arg7[%mul3A_2] : memref<16384xf32, #tpu.memory_space<hbm>> -> memref<512xf32, #tpu.memory_space<hbm>>
    tpu.enqueue_dma source(%arg15 : memref<512xf32, #tpu.memory_space<vmem>>) target(%dma_start3A_128 : memref<512xf32, #tpu.memory_space<hbm>>) target_semaphore(%arg17 : memref<!tpu.dma_semaphore, #tpu.memory_space<semaphore_mem>>)
    %dma_wait3A_129 = tpu.memref_slice %arg6[%mul3A_2] : memref<16384xf32, #tpu.memory_space<hbm>> -> memref<512xf32, #tpu.memory_space<hbm>>
    %dma_wait3A_130 = tpu.memref_slice %arg6[%mul3A_2] : memref<16384xf32, #tpu.memory_space<hbm>> -> memref<512xf32, #tpu.memory_space<hbm>>
    tpu.wait_dma2 semaphore(%arg17 : memref<!tpu.dma_semaphore, #tpu.memory_space<semaphore_mem>>) src(%arg14 : memref<512xf32, #tpu.memory_space<vmem>>) dst(%dma_wait3A_130 : memref<512xf32, #tpu.memory_space<hbm>>)
    %dma_wait3A_131 = tpu.memref_slice %arg7[%mul3A_2] : memref<16384xf32, #tpu.memory_space<hbm>> -> memref<512xf32, #tpu.memory_space<hbm>>
    %dma_wait3A_132 = tpu.memref_slice %arg7[%mul3A_2] : memref<16384xf32, #tpu.memory_space<hbm>> -> memref<512xf32, #tpu.memory_space<hbm>>
    tpu.wait_dma2 semaphore(%arg17 : memref<!tpu.dma_semaphore, #tpu.memory_space<semaphore_mem>>) src(%arg15 : memref<512xf32, #tpu.memory_space<vmem>>) dst(%dma_wait3A_132 : memref<512xf32, #tpu.memory_space<hbm>>)
    return
  }
}

</mosaic_0001>

<sc_bundles>
// kernel: kernel.3.cloned.1.call-start
scs
__scs_entry_jumppad:
0x0: {  	(pc) =	sbr.rel $0x88, $3  }
0x1: {  	(tag) =	ssettag $0x0;
	lr =	simm.s32 $0x1  }
0x2: {  	[smem:$0x3F9D] =	sst lr;
	_ =	strace $0xD0000000  }
0x3: {  	_ = 	snop  }
0x4: {  	_ = 	snop  }
0x5: {  	_ = 	snop  }
0x6: {  	_ = 	snop  }
0x7: {  	_ = 	snop  }
__scs_overlays_trampoline_lowered:
0x8: {  	[smem:$0x3FAC] =	sst s0  }
0x9: {  	[smem:$0x3FAD] =	sst s1  }
0xa: {  	[smem:$0x3FAE] =	sst s2  }
0xb: {  	[smem:$0x3FAF] =	sst s3  }
0xc: {  	[smem:$0x3FB0] =	sst s4  }
0xd: {  	[smem:$0x3FB1] =	sst s5  }
0xe: {  	[smem:$0x3FB2] =	sst s6  }
0xf: {  	[smem:$0x3FB3] =	sst s7  }
0x10: {  	[smem:$0x3FB4] =	sst s8  }
0x11: {  	[smem:$0x3FB5] =	sst s9;
	s0 =	simm.s32 @!p0 $0x0  }
0x12: {  	s1 =	sld [smem:$0x3F9B];
	s0 =	simm.s32 @p0 $0x1  }
0x13: {  	[smem:$0x3FB6] =	sst s0;
	s0 =	simm.s32 @!p1 $0x0  }
0x14: {  	s2 =	sld [smem:$0x3F9A];
	s0 =	simm.s32 @p1 $0x1  }
0x15: {  	[smem:$0x3FB7] =	sst s0;
	s0 =	simm.s32 @!p2 $0x0  }
0x16: {  	s3 =	sld [smem:$0x3FDB];
	s0 =	simm.s32 @p2 $0x1  }
0x17: {  	s4 =	simm.s32 $0x1BF5;
	[smem:$0x3FB9] =	sst s0  }
0x18: {  	s0 =	sld [smem:$0x3F9C];
	_ =	swait.ge [sflag:s4], $0x0  }
0x19: {  	s7 =	sld [smem:$0x3F9D]  }
0x1a: {  	s8 =	sadd.s32 $0xFFFFE003, lr  }
0x1b: {  	s9 =	sadd.s32 $0xFFFFFEF7, lr;
	s5 =	simm.s32 $0xFFFFFFFF;
	p2 =	slt.u32 s8, $0xFFFFF086  }
0x1c: {  	p1 =	slt.u32 s9, $0xF7A;
	s5 =	simm.s32 @!p2 $0x0  }
0x1d: {  	s5 =	simm.s32 @p1 $0x1;
	p0 =	seq.s32 s7, s2  }
0x1e: {  	s7 =	smul.u32 @!p0 $0xF7A, s2;
	p2 =	seq.s32 @!p0 s5, $0x0  }
0x1f: {  	s9 =	smul.u32 $0xF7A, s1;
	s8 =	simm.s32 @!p0 $0x1BF5;
	p2 =	por !p2, p0  }
0x20: {  	[sflag:s8] =	ssyncset.s32 @!p0 $0xFFFFF086;
	s6 =	sadd.s32 @!p0 s3, s7;
	s7 =	simm.s32 @!p0 $0x108  }
0x21: {  	s3 =	sadd.s32 s3, s9;
	s6 =	sadd.s32 @!p0 $0x88, s6;
	s7 =	simm.s32 @p2 $0x1082  }
0x22: {  	[simem:s7], [sflag:s8] =	dma.local @!p0 [hbm:s6], $0xF7A  }
0x23: {  	s9 =	sor.u32 $0xD0000000, s2;
	s6 =	simm.s32 $0x108;
	_ =	swait.ge @!p0 [sflag:s8], $0x0  }
0x24: {  	s3 =	sadd.s32 $0x88, s3;
	s6 =	simm.s32 @!p1 $0x1082;
	[sflag:s4] =	ssyncset.s32 $0xFFFFF086  }
0x25: {  	[simem:s6], [sflag:s4] =	dma.local [hbm:s3], $0xF7A  }
0x26: {  	[smem:$0x3F9D] =	sst s1;
	(tag) =	ssettag s2;
	_ =	strace s9  }
0x27: {  	s1 =	sld [smem:$0x3FAD]  }
0x28: {  	s2 =	sld [smem:$0x3FAE]  }
0x29: {  	s4 =	sld [smem:$0x3FB0]  }
0x2a: {  	p0 =	seq.s32 s5, $0x0;
	s5 =	sld [smem:$0x3FB1]  }
0x2b: {  	s6 =	sld [smem:$0x3FB2]  }
0x2c: {  	s7 =	sld [smem:$0x3FB3]  }
0x2d: {  	s3 =	simm.s32 $0x108;
	s8 =	sld [smem:$0x3FB4]  }
0x2e: {  	s3 =	simm.s32 @!p0 $0x1082;
	s9 =	sld [smem:$0x3FB5]  }
0x2f: {  	lr =	sadd.s32 s0, s3;
	s0 =	sld [smem:$0x3FAC]  }
0x30: {  	s3 =	sld [smem:$0x3FAF]  }
0x31: {  	[smem:$0x3FB8] =	sst s10  }
0x32: {  	s10 =	sld [smem:$0x3FB6];
	_ =	sdelay $0x3  }
0x33: {  	p0 =	seq.s32 s10, $0x1;
	s10 =	sld [smem:$0x3FB8];
	_ =	sdelay $0x3  }
0x34: {  	[smem:$0x3FB8] =	sst s10  }
0x35: {  	s10 =	sld [smem:$0x3FB7];
	_ =	sdelay $0x3  }
0x36: {  	p1 =	seq.s32 s10, $0x1;
	s10 =	sld [smem:$0x3FB8];
	_ =	sdelay $0x3  }
0x37: {  	[smem:$0x3FB8] =	sst s10  }
0x38: {  	s10 =	sld [smem:$0x3FB9]  }
0x39: {  	_ = 	snop;
	(pc) =	sbr.ind lr, $3  }
0x3a: {  	_ = 	snop  }
0x3b: {  	_ = 	snop  }
0x3c: {  	p2 =	seq.s32 s10, $0x1;
	s10 =	sld [smem:$0x3FB8]  }
0x3d: {  	_ =	shalt  }
0x3e: {  	_ =	shalt  }
0x3f: {  	_ =	shalt  }
0x40: {  	_ =	shalt  }
0x41: {  	_ =	shalt  }
0x42: {  	_ =	shalt  }
0x43: {  	_ =	shalt  }
0x44: {  	_ =	shalt  }
0x45: {  	_ =	shalt  }
0x46: {  	_ =	shalt  }
0x47: {  	_ =	shalt  }
0x48: {  	_ =	shalt  }
0x49: {  	_ =	shalt  }
0x4a: {  	_ =	shalt  }
0x4b: {  	_ =	shalt  }
0x4c: {  	_ =	shalt  }
0x4d: {  	_ =	shalt  }
0x4e: {  	_ =	shalt  }
0x4f: {  	_ =	shalt  }
0x50: {  	_ =	shalt  }
0x51: {  	_ =	shalt  }
0x52: {  	_ =	shalt  }
0x53: {  	_ =	shalt  }
0x54: {  	_ =	shalt  }
0x55: {  	_ =	shalt  }
0x56: {  	_ =	shalt  }
0x57: {  	_ =	shalt  }
0x58: {  	_ =	shalt  }
0x59: {  	_ =	shalt  }
0x5a: {  	_ =	shalt  }
0x5b: {  	_ =	shalt  }
0x5c: {  	_ =	shalt  }
0x5d: {  	_ =	shalt  }
0x5e: {  	_ =	shalt  }
0x5f: {  	_ =	shalt  }
0x60: {  	_ =	shalt  }
0x61: {  	_ =	shalt  }
0x62: {  	_ =	shalt  }
0x63: {  	_ =	shalt  }
0x64: {  	_ =	shalt  }
0x65: {  	_ =	shalt  }
0x66: {  	_ =	shalt  }
0x67: {  	_ =	shalt  }
0x68: {  	_ =	shalt  }
0x69: {  	_ =	shalt  }
0x6a: {  	_ =	shalt  }
0x6b: {  	_ =	shalt  }
0x6c: {  	_ =	shalt  }
0x6d: {  	_ =	shalt  }
0x6e: {  	_ =	shalt  }
0x6f: {  	_ =	shalt  }
0x70: {  	_ =	shalt  }
0x71: {  	_ =	shalt  }
0x72: {  	_ =	shalt  }
0x73: {  	_ =	shalt  }
0x74: {  	_ =	shalt  }
0x75: {  	_ =	shalt  }
0x76: {  	_ =	shalt  }
0x77: {  	_ =	shalt  }
0x78: {  	_ =	shalt  }
0x79: {  	_ =	shalt  }
0x7a: {  	_ =	shalt  }
0x7b: {  	_ =	shalt  }
0x7c: {  	_ =	shalt  }
0x7d: {  	_ =	shalt  }
0x7e: {  	_ =	shalt  }
0x7f: {  	_ =	shalt  }
0x80: {  	_ =	shalt  }
0x81: {  	_ =	shalt  }
0x82: {  	_ =	shalt  }
0x83: {  	_ =	shalt  }
0x84: {  	_ =	shalt  }
0x85: {  	_ =	shalt  }
0x86: {  	_ =	shalt  }
0x87: {  	_ =	shalt  }
.Lfunc_end0:
.L_simem_size_0:
called_computation_lowered:
.L_overlay_start_0:
0x88: {  	s2 =	sld [smem:$0x3FD9]  }
0x89: {  	s3 =	sld [smem:$0x3FFE];
	_ =	sdelay $0x1  }
0x8a: {  	s1 =	srdreg.scid  }
0x8b: {  	s0 =	sand.u32 $0x1, s1  }
0x8c: {  	s14 =	sshll.u32 s0, $0xA;
	s2 =	sadd.s32 s3, s2  }
0x8d: {  	s2 =	sadd.s32 s2, s14  }
0x8e: {  	[smem:$0x3FC4] =	sst s2  }
0x8f: {  	_ = 	snop  }
0x90: {  	s2 =	sld [smem:$0x3FD0]  }
0x91: {  	s15 =	sld [smem:$0x3FC9]  }
0x92: {  	s4 =	sld [smem:$0x3FC8]  }
0x93: {  	s6 =	simm.s32 $0xA;
	s7 =	simm.s32 $0x10;
	s5 =	sld [smem:$0x3FC6]  }
0x94: {  	[smem:s7], [sflag:s6] =	dma.local [hbm:s2], $0x1  }
0x95: {  	_ =	swait.eq [sflag:s6], $0x1  }
0x96: {  	[sflag:s6] =	ssyncset.done $0x0  }
0x97: {  	s16 =	sld [smem:$0x10];
	[sflag:s6] =	ssyncadd.s32 $0xFFFFFFFF  }
0x98: {  	s17 =	sld [smem:$0x11];
	(tm) =	ssettm $0x1  }
0x99: {  	s18 =	sld [smem:$0x3FFB];
	_ =	sdelay $0x3  }
0x9a: {  	_ =	strace s18  }
0x9b: {  	s7 =	sld [smem:$0x3FFC];
	_ =	sdelay $0x3  }
0x9c: {  	_ =	strace s7  }
0x9d: {  	s7 =	sld [smem:$0x3FFD];
	_ =	sdelay $0x3  }
0x9e: {  	_ =	strace s7  }
0x9f: {  	_ =	strace $0x8FFFFFFF  }
0xa0: {  	s19 =	sld [smem:$0x3FDB];
	_ =	sdelay $0x1  }
0xa1: {  	s8 =	simm.s32 $_scs_section_size  }
0xa2: {  	s9 =	simm.s32 $_size__tile_overlayer_lowered;
	s10 =	simm.s32 $_tile_overlayer_lowered  }
0xa3: {  	s22 =	simm.s32 $0x1BFF;
	s21 =	sshll.u32 s10, $0x1;
	s7 =	sadd.s32 s8, s19  }
0xa4: {  	s11 =	simm.s32 $0x0;
	s20 =	sshll.u32 s9, $0x1;
	s9 =	sadd.s32 s21, s7  }
0xa5: {  	[timem:s11], [sflag:s22] =	dma.local [hbm:s9], s20  }
0xa6: {  	_ =	swait.ge [sflag:s22], s20  }
0xa7: {  	s8 =	ssub.s32 $0x0, s20;
	[sflag:s22] =	ssyncset.done $0x0  }
0xa8: {  	[sflag:s22] =	ssyncadd.s32 s8;
	_ =	sdelay $0x1  }
0xa9: {  	s23 =	simm.s32 $0x1B8B  }
0xaa: {  	_ =	swait.ge [sflag:s23], $0x1  }
0xab: {  	[sflag:s23] =	ssyncset.done $0x0  }
0xac: {  	s25 =	simm.s32 $0x1B8E;
	s24 =	sld [smem:$0x3FFE];
	[sflag:s23] =	ssyncadd.s32 $0xFFFFFFFF  }
0xad: {  	s26 =	simm.s32 $execute0_lowered;
	[smem:$0x3FD2] =	sst s25  }
0xae: {  	s9 =	sshll.u32 s26, $0x1;
	_ =	strace $0x80000046;
	[dreg:$0x1] =	wrdreg $0xFFFFFFFF  }
0xaf: {  	s28 =	simm.s32 $_size_execute0_lowered;
	s7 =	sadd.s32 s7, s9;
	[dreg:$0x0] =	wrdreg $0x0  }
0xb0: {  	s9 =	sshll.u32 s28, $0x1;
	[dreg:$0x2] =	wrdreg s7  }
0xb1: {  	[dreg:$0x3] =	wrdreg s9  }
0xb2: {  	[dreg:$0x4] =	wrdreg $0xC0  }
0xb3: {  	_ =	task [dreg:s11], $0x5FFFF  }
0xb4: {  	[dreg:$0x1] =	wrdreg $0xFFFFFFFF  }
0xb5: {  	[dreg:$0x0] =	wrdreg $0x60  }
0xb6: {  	[dreg:$0x2] =	wrdreg s4  }
0xb7: {  	[dreg:$0x3] =	wrdreg s24  }
0xb8: {  	[dreg:$0x4] =	wrdreg s5  }
0xb9: {  	[dreg:$0x5] =	wrdreg s15  }
0xba: {  	[dreg:$0x6] =	wrdreg s16  }
0xbb: {  	[dreg:$0x7] =	wrdreg s17  }
0xbc: {  	[dreg:$0x8] =	wrdreg $0xA800  }
0xbd: {  	[dreg:$0x9] =	wrdreg $0x9  }
0xbe: {  	_ =	task.clear_ibuf [dreg:s11], $0xAFFFF;
	_ =	strace $0x90000046  }
0xbf: {  	s29 =	simm.s32 $0x9;
	_ =	strace $0x80000048  }
0xc0: {  	_ =	swait.ge [sflag:s29], $0x1  }
0xc1: {  	[sflag:s29] =	ssyncadd.s32 $0xFFFFFFFF  }
0xc2: {  	_ =	strace $0x90000048  }
0xc3: {  	_ =	sfence  }
0xc4: {  	s30 =	sld [smem:$0x0];
	_ =	sdelay $0x2  }
0xc5: {  	s31 =	sshll.u32 s1, $0xD;
	s1 =	sshrl.u32 s1, $0x2  }
0xc6: {  	s3 =	sand.u32 $0x4000, s31;
	s1 =	sadd.s32 s1, s30  }
0xc7: {  	s0 =	sor.u32 s3, s0;
	s1 =	sshll.u32 s1, $0x11  }
0xc8: {  	s0 =	sor.u32 s1, s0  }
0xc9: {  	s0 =	sadd.s32 $0x8F2B, s0  }
0xca: {  	[sflag:s0] =	ssyncadd.remote.s32 $0x1  }
0xcb: {  	_ =	sfence.sel $0xFFFF  }
0xcc: {  	[dreg:$0x0] =	wrdreg $0xFFFFFFFF;
	(pc) =	sbr.abs _section_cstart, $3  }
0xcd: {  	[dreg:$0x1] =	wrdreg $0xFFFFFFFF  }
0xce: {  	_ =	task.clear_ibuf [dreg:s11], $0x2FFFF;
	_ =	strace $0x9FFFFFFF  }
0xcf: {  	(tm) =	ssettm $0x7FFFFFFF  }
tec
execute0_lowered:
.L_overlay_start_1:
0x0: {  	(tag) =	ssettag $0x1  }
0x1: {  	s6 =	rddreg [dreg:$0x0]  }
0x2: {  	s4 =	rddreg [dreg:$0x1]  }
0x3: {  	s1 =	rddreg [dreg:$0x2]  }
0x4: {  	s7 =	rddreg [dreg:$0x3]  }
0x5: {  	s9 =	rddreg [dreg:$0x4]  }
0x6: {  	s10 =	rddreg [dreg:$0x5]  }
0x7: {  	s2 =	rddreg [dreg:$0x6]  }
0x8: {  	s5 =	srdreg.scid;
	s0 =	rddreg [dreg:$0x7]  }
0x9: {  	s3 =	simm.s32 $0x0;
	s14 =	simm.s32 $0x480;
	s15 =	simm.s32 $0x1  }
0xa: {  	s16 =	simm.s32 $0x380;
	s17 =	simm.s32 $0x2;
	s18 =	simm.s32 $0x400  }
0xb: {  	s19 =	simm.s32 $0x680;
	s20 =	simm.s32 $0x880;
	s21 =	simm.s32 $0x0  }
0xc: {  	s8 =	sand.u32 $0x1, s5;
	[smem:$0x7FF] =	sst s3;
	s5 =	sadd.s32 $0xA00, s4  }
0xd: {  	s4 =	stileid.u32;
	s11 =	ssub.s32 $0x2, s8;
	_ =	strace $0x80000047  }
0xe: {  	s30 =	sshll.u32 s4, $0x7;
	s8 =	sshll.u32 s8, $0x6;
	s13 =	sshll.u32 s4, $0x6  }
0xf: {  	v1 =	vlaneseq.u32;
	vm0 =	vmmov $0x1;
	s31 =	sshll.u32 s4, $0x3;
	s12 =	sshrl.u32 s11, $0x1;
	s6 =	sadd.s32 s6, s13  }
0x10: {  	vm1 =	vcmask $0x320;
	vm2 =	vcmask $0x720;
	vm3 =	vcmask $0xB20;
	s13 =	simm.s32 $0x300;
	s11 =	ssub.s32 s11, s12;
	s12 =	sor.u32 s8, s30  }
0x11: {  	vm4 =	vcmask $0xF20;
	vm5 =	vcmask $0x1320;
	v0 =	vmul.u32 $0x2, v1;
	s8 =	sadd.s32 s31, s2;
	s7 =	sadd.s32 s7, s12;
	s9 =	sadd.s32 s9, s12  }
0x12: {  	vm6 =	vcmask $0x1720;
	vm7 =	vcmask $0x1B20;
	v1 =	vand.u32 $0x1, v1;
	s10 =	sadd.s32 s10, s12;
	s11 =	smax.u32 s11, $0x1;
	s12 =	simm.s32 $0x200  }
.LBB2_1:
0x13: {  	[tilespmem:s3], [sflag:$0x1] =	stream.linear.gather [hbm4b:s6+s3], $0x200, $0x38;
	[tilespmem:$0xA88] =	vst v63  }
0x14: {  	_ = 	snop  }
0x15: {  	[tilespmem:s12], [sflag:$0x1] =	stream.linear.gather [hbm4b:s5+s3], $0x100, $0x38;
	[tilespmem:$0xA88] =	vst v63  }
0x16: {  	_ = 	snop  }
0x17: {  	[tilespmem:s13], [sflag:$0x1] =	stream.linear.gather [hbm4b:s1+s3], $0x80, $0x38;
	[tilespmem:$0xA88] =	vst v63  }
0x18: {  	_ = 	snop  }
0x19: {  	[tilespmem:s14], [sflag:$0x1] =	stream.linear.gather [hbm4b:s7+s3], $0x200, $0x38;
	[tilespmem:$0xA88] =	vst v63  }
0x1a: {  	_ =	swait.ge [sflag:s15], $0x200  }
0x1b: {  	[sflag:s15] =	ssyncset.done $0x0  }
0x1c: {  	[sflag:s15] =	ssyncadd.s32 $0xFFFFFE00  }
0x1d: {  	_ =	swait.ge [sflag:s15], $0x100  }
0x1e: {  	[sflag:s15] =	ssyncset.done $0x0  }
0x1f: {  	v2 =	vmov s3;
	[sflag:s15] =	ssyncadd.s32 $0xFFFFFF00  }
0x20: {  	v2 =	vshll.u32 v2, $0x1;
	_ =	swait.ge [sflag:s15], $0x80  }
0x21: {  	v2 =	vor.u32 v0, v2;
	[sflag:s15] =	ssyncset.done $0x0  }
0x22: {  	s24 =	simm.s32 $0x100;
	v3 =	vor.u32 $0x1, v2;
	[sflag:s15] =	ssyncadd.s32 $0xFFFFFF80  }
0x23: {  	v7 =	vld [tilespmem:s24+$0xFFFFFF80]  }
0x24: {  	v5 =	vld [tilespmem:s24+$0x80]  }
0x25: {  	s22 =	simm.s32 $0x10;
	v9 =	vld [tilespmem:s24+$0xFFFFFF00]  }
0x26: {  	v19 =	vld.idx.msk [tilespmem:v2+s12+$0x0], $0xffff;
	v2 =	vmov s22  }
0x27: {  	s23 =	simm.s32 $0x110;
	v12 =	vld.idx.msk [tilespmem:v3+s12+$0x0], $0xffff;
	v2 =	vshll.u32 v2, $0x1  }
0x28: {  	v4 =	vld [tilespmem:s23+$0xFFFFFF80];
	v13 =	vor.u32 v0, v2  }
0x29: {  	s22 =	simm.s32 $0x120;
	v8 =	vld [tilespmem:s24+$0x0];
	v16 =	vor.u32 $0x1, v13  }
0x2a: {  	v10 =	vimm.f32 $0.0e+00;
	s25 =	simm.s32 $0x20;
	v18 =	vimm.f32 $0.0e+00;
	v15 =	vimm.f32 $0.0e+00;
	v2 =	vld [tilespmem:s22+$0xFFFFFF80]  }
0x2b: {  	v17 =	vimm.f32 $0.0e+00;
	v14 =	vmov s25;
	v6 =	vld [tilespmem:s23+$0x80];
	v21 =	vmul.f32 v9, v19  }
0x2c: {  	v24 =	vshll.u32 v14, $0x1;
	v11 =	vld [tilespmem:s23+$0xFFFFFF00];
	v3 =	vmul.f32 v5, v19;
	v22 =	vmul.f32 v9, v12  }
0x2d: {  	v14 =	vimm.f32 $0.0e+00;
	v20 =	vmul.f32 v7, v19;
	v23 =	vmul.f32 v7, v12;
	v9 =	vld.idx.msk [tilespmem:v13+s12+$0x0], $0xffff  }
0x2e: {  	s25 =	simm.s32 $0x130;
	s24 =	simm.s32 $0x30;
	v3 =	vadd.f32 v3, v10;
	v13 =	vimm.f32 $0.0e+00;
	v7 =	vld.idx.msk [tilespmem:v16+s12+$0x0], $0xffff;
	v16 =	vimm.f32 $0.0e+00  }
.LBB2_2:
0x2f: {  	p0 =	sne.s32 s24, $0x70;
	v24 =	vor.u32 v0, v24;
	v10 =	vadd.f32 v21, v10;
	v19 =	vmul.f32 v8, v19;
	v25 =	vmovc v2;
	v2 =	vld [tilespmem:s25+$0xFFFFFF80];
	s26 =	smov.u32 s24;
	s24 =	sadd.s32 $0x10, s24  }
0x30: {  	v18 =	vadd.f32 v22, v18;
	v21 =	vmul.f32 v5, v12;
	v26 =	vor.u32 $0x1, v24;
	v5 =	vmovc v6  }
.Ltmp0:
0x31: {  	v14 =	vadd.f32 v20, v14;
	v28 =	vmul.f32 v8, v12;
	v15 =	vadd.f32 v23, v15;
	v8 =	vld [tilespmem:s23+$0x0];
	v20 =	vmovc v11;
	s23 =	smov.u32 s22;
	s22 =	smov.u32 s25;
	(pc) =	sbr.rel @p0 .LBB2_2-.Ltmp0, $4  }
0x32: {  	v16 =	vadd.f32 v19, v16;
	v17 =	vadd.f32 v21, v17;
	v6 =	vld [tilespmem:s23+$0x80]  }
0x33: {  	v13 =	vadd.f32 v28, v13;
	v21 =	vmul.f32 v20, v9;
	v27 =	vmul.f32 v5, v9;
	v11 =	vld [tilespmem:s23+$0xFFFFFF00];
	v19 =	vmovc v9  }
0x34: {  	v23 =	vmov s26;
	v22 =	vmul.f32 v20, v7;
	v12 =	vmovc v7;
	v9 =	vld.idx.msk [tilespmem:v24+s12+$0x0], $0xffff;
	v20 =	vmul.f32 v4, v19  }
0x35: {  	s25 =	sadd.s32 $0x10, s25;
	v24 =	vshll.u32 v23, $0x1;
	v23 =	vmul.f32 v4, v12;
	v3 =	vadd.f32 v27, v3;
	v4 =	vmovc v25;
	v7 =	vld.idx.msk [tilespmem:v26+s12+$0x0], $0xffff  }
0x36: {  	v24 =	vor.u32 v0, v24  }
0x37: {  	v25 =	vor.u32 $0x1, v24;
	_ =	sdelay $0x1  }
0x38: {  	v26 =	vld [tilespmem:s23+$0x0]  }
0x39: {  	v10 =	vadd.f32 v21, v10;
	v44 =	vld [tilespmem:s22+$0xFFFFFF00]  }
0x3a: {  	v18 =	vadd.f32 v22, v18;
	v19 =	vmul.f32 v8, v19;
	v5 =	vmul.f32 v5, v12;
	v45 =	vld.idx.msk [tilespmem:v24+s12+$0x0], $0xffff  }
0x3b: {  	v14 =	vadd.f32 v20, v14;
	v8 =	vmul.f32 v8, v12;
	v15 =	vadd.f32 v23, v15;
	v46 =	vld.idx.msk [tilespmem:v25+s12+$0x0], $0xffff  }
0x3c: {  	v16 =	vadd.f32 v19, v16;
	v47 =	vmul.f32 v11, v9;
	v48 =	vmul.f32 v6, v9  }
0x3d: {  	v5 =	vadd.f32 v5, v17;
	v49 =	vmul.f32 v4, v9;
	v11 =	vmul.f32 v11, v7  }
0x3e: {  	v50 =	vld [tilespmem:s22+$0x0];
	v8 =	vadd.f32 v8, v13;
	v4 =	vmul.f32 v4, v7;
	v6 =	vmul.f32 v6, v7  }
0x3f: {  	v10 =	vadd.f32 v47, v10;
	v9 =	vmul.f32 v26, v9;
	v51 =	vmul.f32 v44, v45  }
0x40: {  	v52 =	vld [tilespmem:s22+$0x80];
	v13 =	vadd.f32 v49, v14;
	v11 =	vadd.f32 v11, v18;
	v53 =	vmul.f32 v44, v46  }
0x41: {  	v7 =	vmul.f32 v26, v7;
	v54 =	vmul.f32 v2, v45;
	v10 =	vadd.f32 v51, v10  }
0x42: {  	v4 =	vadd.f32 v4, v15;
	v2 =	vmul.f32 v2, v46;
	v11 =	vadd.f32 v53, v11  }
0x43: {  	v9 =	vadd.f32 v9, v16;
	v55 =	vmul.f32 v50, v45;
	v13 =	vadd.f32 v54, v13;
	(xrf2) =	vadd.scan.msk.f32 $0xffff, v10  }
0x44: {  	v7 =	vadd.f32 v7, v8;
	v2 =	vadd.f32 v2, v4;
	v4 =	vmul.f32 v50, v46;
	(xrf2) =	vadd.scan.msk.f32 $0xffff, v11  }
0x45: {  	v3 =	vadd.f32 v48, v3;
	v8 =	vmul.f32 v52, v45;
	v9 =	vadd.f32 v55, v9;
	(xrf2) =	vadd.scan.msk.f32 $0xffff, v13  }
0x46: {  	v5 =	vadd.f32 v6, v5;
	v6 =	vmul.f32 v52, v46;
	v4 =	vadd.f32 v4, v7;
	(xrf2) =	vadd.scan.msk.f32 $0xffff, v2  }
0x47: {  	v2 =	vadd.f32 v8, v3;
	(xrf2) =	vadd.scan.msk.f32 $0xffff, v9  }
0x48: {  	v3 =	vadd.f32 v6, v5;
	(xrf2) =	vadd.scan.msk.f32 $0xffff, v4  }
0x49: {  	(xrf2) =	vadd.scan.msk.f32 $0xffff, v2  }
0x4a: {  	(xrf2) =	vadd.scan.msk.f32 $0xffff, v3;
	_ =	sdelay $0x2  }
0x4b: {  	v2, _, _ =	vpop (xrf2)  }
0x4c: {  	v3, _, _ =	vpop (xrf2);
	v2 =	vbroadcast v2, $0xF  }
0x4d: {  	v4, _, _ =	vpop (xrf2);
	v3 =	vbroadcast v3, $0xF  }
0x4e: {  	v5, _, _ =	vpop (xrf2);
	v2 =	vnsel vm0, $0x0, v2;
	v4 =	vbroadcast v4, $0xF  }
0x4f: {  	v6, _, _ =	vpop (xrf2);
	v2 =	vsel vm1, v2, v3;
	v3 =	vbroadcast v5, $0xF  }
0x50: {  	v5, _, _ =	vpop (xrf2);
	v2 =	vsel vm2, v2, v4;
	v4 =	vbroadcast v6, $0xF  }
0x51: {  	v7 =	vld.idx.msk [tilespmem:v1+s13+$0x0], $0xffff;
	v6, _, _ =	vpop (xrf2);
	v2 =	vsel vm3, v2, v3;
	v3 =	vbroadcast v5, $0xF  }
0x52: {  	v2 =	vsel vm4, v2, v4;
	v4 =	vbroadcast v6, $0xF;
	v5, _, _ =	vpop (xrf2)  }
0x53: {  	v2 =	vsel vm5, v2, v3;
	v3 =	vbroadcast v5, $0xF  }
0x54: {  	v2 =	vsel vm6, v2, v4  }
0x55: {  	v2 =	vsel vm7, v2, v3  }
0x56: {  	v2 =	vadd.f32 v7, v2;
	_ =	sdelay $0x1  }
0x57: {  	[tilespmem:$0x380] =	vst v2  }
0x58: {  	[spmem:s8] =	stream.linear.scatter [tilespmem:s16], [sflag:$0x2], $0x8, $0x38;
	[tilespmem:$0xA88] =	vst v63  }
0x59: {  	_ =	swait.ge [sflag:s17], $0x8  }
0x5a: {  	[sflag:s17] =	ssyncset.done $0x0  }
0x5b: {  	[sflag:s17] =	ssyncadd.s32 $0xFFFFFFF8  }
0x5c: {  	[bflag:$0x0] =	sbarrier.arrive $0xFFFF  }
0x5d: {  	[tilespmem:s18], [sflag:$0x2] =	stream.linear.gather [spmem:s2], $0x80, $0x38;
	[tilespmem:$0xA88] =	vst v63  }
0x5e: {  	_ =	swait.ge [sflag:s17], $0x80  }
0x5f: {  	[sflag:s17] =	ssyncset.done $0x0  }
0x60: {  	[sflag:s17] =	ssyncadd.s32 $0xFFFFFF80  }
0x61: {  	_ =	swait.ge [sflag:s15], $0x200  }
0x62: {  	[sflag:s15] =	ssyncset.done $0x0  }
0x63: {  	s31 =	simm.s32 $0x4C0;
	[sflag:s15] =	ssyncadd.s32 $0xFFFFFE00  }
0x64: {  	v2 =	vld [tilespmem:s31+$0x30]  }
0x65: {  	v3 =	vld [tilespmem:s31+$0xFFFFFFD0]  }
0x66: {  	v4 =	vld [tilespmem:s31+$0xFFFFFFE0]  }
0x67: {  	v5 =	vld [tilespmem:s31+$0xFFFFFFF0]  }
0x68: {  	v6 =	vld [tilespmem:s31+$0x0]  }
0x69: {  	v7 =	vld [tilespmem:s31+$0x10];
	v2 =	vshll.u32 v2, $0x1  }
0x6a: {  	v8 =	vld [tilespmem:s31+$0x20];
	v3 =	vshll.u32 v3, $0x1  }
0x6b: {  	v9 =	vld [tilespmem:s31+$0xFFFFFFC0];
	v4 =	vshll.u32 v4, $0x1  }
0x6c: {  	v5 =	vshll.u32 v5, $0x1  }
0x6d: {  	v6 =	vshll.u32 v6, $0x1  }
0x6e: {  	v7 =	vshll.u32 v7, $0x1;
	v10 =	vld.idx.msk [tilespmem:v2+s18+$0x0], $0xffff  }
0x6f: {  	v56 =	vshll.u32 v8, $0x1;
	v11 =	vld.idx.msk [tilespmem:v3+s18+$0x0], $0xffff  }
0x70: {  	v9 =	vshll.u32 v9, $0x1;
	v8 =	vld.idx.msk [tilespmem:v4+s18+$0x0], $0xffff  }
0x71: {  	v2 =	vor.u32 $0x1, v2;
	v57 =	vld.idx.msk [tilespmem:v5+s18+$0x0], $0xffff  }
0x72: {  	v3 =	vor.u32 $0x1, v3;
	v58 =	vld.idx.msk [tilespmem:v6+s18+$0x0], $0xffff  }
0x73: {  	s22 =	simm.s32 $0x6C0;
	v59 =	vor.u32 $0x1, v4;
	v60 =	vld.idx.msk [tilespmem:v7+s18+$0x0], $0xffff  }
0x74: {  	v61 =	vor.u32 $0x1, v5;
	v62 =	vld.idx.msk [tilespmem:v56+s18+$0x0], $0xffff;
	[tilespmem:s22+$0x30] =	vst v10  }
0x75: {  	v63 =	vor.u32 $0x1, v7;
	v4 =	vld.idx.msk [tilespmem:v9+s18+$0x0], $0xffff;
	[tilespmem:s22+$0xFFFFFFD0] =	vst v11  }
0x76: {  	v10 =	vor.u32 $0x1, v6;
	[tilespmem:s22+$0xFFFFFFE0] =	vst v8;
	v11 =	vld.idx.msk [tilespmem:v2+s18+$0x0], $0xffff  }
0x77: {  	[tilespmem:s22+$0xFFFFFFF0] =	vst v57;
	v5 =	vld.idx.msk [tilespmem:v3+s18+$0x0], $0xffff  }
0x78: {  	[tilespmem:s22+$0x0] =	vst v58;
	v6 =	vld.idx.msk [tilespmem:v59+s18+$0x0], $0xffff  }
0x79: {  	[tilespmem:s22+$0x10] =	vst v60;
	v7 =	vld.idx.msk [tilespmem:v61+s18+$0x0], $0xffff  }
0x7a: {  	s23 =	simm.s32 $0x8C0;
	[tilespmem:s22+$0x20] =	vst v62;
	v3 =	vor.u32 $0x1, v9;
	v9 =	vld.idx.msk [tilespmem:v63+s18+$0x0], $0xffff  }
0x7b: {  	s24 =	simm.s32 $0x0;
	s25 =	simm.s32 $0x540;
	v2 =	vor.u32 $0x1, v56;
	v8 =	vld.idx.msk [tilespmem:v10+s18+$0x0], $0xffff;
	[tilespmem:s23+$0x30] =	vst v11  }
.LBB2_4:
0x7c: {  	v10 =	vld [tilespmem:s25+$0x30];
	s24 =	sadd.s32 $0x80, s24;
	[tilespmem:s22+$0xFFFFFFC0] =	vst v4  }
0x7d: {  	v4 =	vld [tilespmem:s25+$0xFFFFFFD0];
	p0 =	slt.u32 s24, $0x180;
	[tilespmem:s23+$0xFFFFFFD0] =	vst v5  }
0x7e: {  	v5 =	vld [tilespmem:s25+$0xFFFFFFE0];
	[tilespmem:s23+$0xFFFFFFE0] =	vst v6  }
0x7f: {  	v6 =	vld [tilespmem:s25+$0xFFFFFFF0];
	[tilespmem:s23+$0xFFFFFFF0] =	vst v7  }
0x80: {  	v7 =	vld [tilespmem:s25+$0x0];
	[tilespmem:s23+$0x0] =	vst v8  }
0x81: {  	v8 =	vld [tilespmem:s25+$0x10];
	v10 =	vshll.u32 v10, $0x1;
	[tilespmem:s23+$0x10] =	vst v9  }
0x82: {  	v4 =	vshll.u32 v4, $0x1;
	v9 =	vld [tilespmem:s25+$0x20]  }
0x83: {  	v11 =	vld [tilespmem:s25+$0xFFFFFFC0];
	v12 =	vor.u32 $0x1, v4;
	v5 =	vshll.u32 v5, $0x1  }
0x84: {  	v13 =	vor.u32 $0x1, v5;
	v6 =	vshll.u32 v6, $0x1;
	v14 =	vld.idx.msk [tilespmem:v3+s18+$0x0], $0xffff  }
0x85: {  	v15 =	vor.u32 $0x1, v6;
	v7 =	vshll.u32 v7, $0x1;
	v16 =	vld.idx.msk [tilespmem:v2+s18+$0x0], $0xffff  }
0x86: {  	v17 =	vor.u32 $0x1, v7;
	v8 =	vshll.u32 v8, $0x1;
	v18 =	vld.idx.msk [tilespmem:v10+s18+$0x0], $0xffff  }
0x87: {  	v4 =	vld.idx.msk [tilespmem:v4+s18+$0x0], $0xffff;
	v19 =	vor.u32 $0x1, v8;
	v9 =	vshll.u32 v9, $0x1  }
0x88: {  	v10 =	vor.u32 $0x1, v10;
	v11 =	vshll.u32 v11, $0x1;
	v5 =	vld.idx.msk [tilespmem:v5+s18+$0x0], $0xffff;
	v2 =	vor.u32 $0x1, v9  }
0x89: {  	v3 =	vor.u32 $0x1, v11;
	v6 =	vld.idx.msk [tilespmem:v6+s18+$0x0], $0xffff  }
0x8a: {  	v7 =	vld.idx.msk [tilespmem:v7+s18+$0x0], $0xffff;
	[tilespmem:s23+$0xFFFFFFC0] =	vst v14  }
0x8b: {  	s22 =	sadd.s32 $0x80, s22;
	v8 =	vld.idx.msk [tilespmem:v8+s18+$0x0], $0xffff;
	[tilespmem:s23+$0x20] =	vst v16  }
0x8c: {  	v9 =	vld.idx.msk [tilespmem:v9+s18+$0x0], $0xffff;
	[tilespmem:s22+$0x30] =	vst v18  }
0x8d: {  	[tilespmem:s22+$0xFFFFFFD0] =	vst v4;
	v10 =	vld.idx.msk [tilespmem:v10+s18+$0x0], $0xffff  }
0x8e: {  	v4 =	vld.idx.msk [tilespmem:v11+s18+$0x0], $0xffff;
	[tilespmem:s22+$0xFFFFFFE0] =	vst v5  }
.Ltmp1:
0x8f: {  	v5 =	vld.idx.msk [tilespmem:v12+s18+$0x0], $0xffff;
	[tilespmem:s22+$0xFFFFFFF0] =	vst v6;
	(pc) =	sbr.rel @p0 .LBB2_4-.Ltmp1, $4  }
0x90: {  	v6 =	vld.idx.msk [tilespmem:v13+s18+$0x0], $0xffff;
	[tilespmem:s22+$0x0] =	vst v7  }
0x91: {  	v7 =	vld.idx.msk [tilespmem:v15+s18+$0x0], $0xffff;
	[tilespmem:s22+$0x10] =	vst v8  }
0x92: {  	s23 =	sadd.s32 $0x80, s23;
	v8 =	vld.idx.msk [tilespmem:v17+s18+$0x0], $0xffff;
	[tilespmem:s22+$0x20] =	vst v9  }
0x93: {  	s25 =	sadd.s32 $0x80, s25;
	v9 =	vld.idx.msk [tilespmem:v19+s18+$0x0], $0xffff;
	[tilespmem:s23+$0x30] =	vst v10  }
0x94: {  	_ =	sdelay $0x2  }
0x95: {  	[tilespmem:s22+$0xFFFFFFC0] =	vst v4  }
0x96: {  	[tilespmem:s23+$0xFFFFFFD0] =	vst v5;
	v2 =	vld.idx.msk [tilespmem:v2+s18+$0x0], $0xffff  }
0x97: {  	v3 =	vld.idx.msk [tilespmem:v3+s18+$0x0], $0xffff;
	[tilespmem:s23+$0xFFFFFFE0] =	vst v6  }
0x98: {  	[tilespmem:s23+$0xFFFFFFF0] =	vst v7  }
0x99: {  	[tilespmem:s23+$0x0] =	vst v8  }
0x9a: {  	[tilespmem:s23+$0x10] =	vst v9  }
0x9b: {  	[tilespmem:s23+$0x20] =	vst v2  }
0x9c: {  	[tilespmem:s23+$0xFFFFFFC0] =	vst v3  }
0x9d: {  	[hbm4b:s9+s3] =	stream.linear.scatter [tilespmem:s19], [sflag:$0x1], $0x200, $0x38;
	[tilespmem:$0xA88] =	vst v63  }
0x9e: {  	s21 =	sadd.s32 $0x1, s21  }
0x9f: {  	[hbm4b:s10+s3] =	stream.linear.scatter [tilespmem:s20], [sflag:$0x1], $0x200, $0x38;
	[tilespmem:$0xA88] =	vst v63  }
0xa0: {  	p0 =	sne.s32 s21, s11;
	_ =	swait.ge [sflag:s15], $0x200  }
.Ltmp2:
0xa1: {  	[sflag:s15] =	ssyncset.done $0x0;
	(pc) =	sbr.rel @p0 .LBB2_1-.Ltmp2, $4  }
0xa2: {  	[sflag:s15] =	ssyncadd.s32 $0xFFFFFE00  }
0xa3: {  	_ =	swait.ge [sflag:s15], $0x200  }
0xa4: {  	[sflag:s15] =	ssyncset.done $0x0  }
0xa5: {  	[sflag:s15] =	ssyncadd.s32 $0xFFFFFE00  }
0xa6: {  	_ =	sfence.sel $0x180000  }
0xa7: {  	[bflag:$0x0] =	sbarrier.arrive $0xFFFF  }
0xa8: {  	p0 =	sne.s32 s4, $0x0;
	_ =	strace $0x90000047  }
0xa9: {  	s0 =	sadd.s32 @!p0 $0x100000, s0;
	[bflag:$0x2] =	sbarrier.arrive $0xFFFF  }
0xaa: {  	[sflag:s0] =	ssyncadd.tile.s32 @!p0 $0x1;
	_ =	shalt  }
.Lfunc_end2:
_tile_overlayer_lowered:
.L_overlay_start_2:
0xab: {  	(tag) =	ssettag $0x2  }
0xac: {  	s0 =	rddreg [dreg:$0x0];
	s2 =	stileid.u32  }
0xad: {  	s1 =	rddreg [dreg:$0x1];
	p0 =	sne.s32 s2, $0x0  }
0xae: {  	s3 =	rddreg [dreg:$0x2];
	[bflag:$0x3] =	sbarrier.arrive $0xFFFF;
	s2 =	simm.s32 @!p0 $0x1C02  }
0xaf: {  	[timem:s3], [sflag:s2] =	dma.local @!p0 [hbm:s0], s1  }
0xb0: {  	s0 =	simm.s32 @!p0 $0x2  }
0xb1: {  	_ =	swait.ge @!p0 [sflag:s0], s1  }
0xb2: {  	s1 =	ssub.s32 @!p0 $0x0, s1;
	[sflag:s0] =	ssyncset.done @!p0 $0x0  }
0xb3: {  	[sflag:s0] =	ssyncadd.s32 @!p0 s1  }
0xb4: {  	[bflag:$0x3] =	sbarrier.arrive $0xFFFF  }
0xb5: {  	_ =	shalt  }

</sc_bundles>
